<compile_context>
chip_gen: v7x
topology: tpu7x:2x2x1
jax: 0.10.2.dev20260603
libtpu: 0.0.44.dev20260713+nightly
codegen_flags: <defaults>
</compile_context>

<pallas_src>
import functools

import jax
import jax.numpy as jnp
from jax import lax
from jax.experimental import pallas as pl
from jax.experimental.pallas import tpu as pltpu
from jax.experimental.pallas import tpu_sc as plsc

B, D, HW = 8, 256, 1024
N = B * HW
K = 1024
BETA = 0.25
_LOSS_SCALE = (1.0 + BETA) / (N * D)

_NC, _NS = 2, 16
_NW = _NC * _NS
_RPW = N // _NW
_ICH = 128
_NI = _RPW // _ICH

_R = 2048
_GRID = N // _R


def _vq_body(zr_ref, e_ref, idx_ref, loss_ref, en_ref, ent_s, esq_s):
    step = pl.program_id(0)

    @pl.when(step == 0)
    def _():
        e = e_ref[...]
        es = jnp.sum(e * e, axis=1, keepdims=True)
        en = e * (1.0 / jnp.maximum(jnp.sqrt(es), 1e-12))
        en_ref[...] = en
        entv = -2.0 * en.T
        ent_s[...] = entv
        esq_s[...] = 0.25 * jnp.sum(entv * entv, axis=0, keepdims=True)
        loss_ref[0, 0] = 0.0

    ent = ent_s[...]
    e_sq = esq_s[...]

    zr = zr_ref[...]
    s = jnp.sum(zr * zr, axis=1, keepdims=True)
    inv = 1.0 / jnp.maximum(jnp.sqrt(s), 1e-12)
    zn = zr * inv
    znsq = s * inv * inv

    g = jnp.dot(zn, ent, preferred_element_type=jnp.float32)
    gd = g + e_sq

    minv = jnp.min(gd, axis=1, keepdims=True)
    iota_l = jax.lax.broadcasted_iota(jnp.int32, (_R, K), 1)
    idxm = jnp.min(jnp.where(gd == minv, iota_l, 2 ** 30), axis=1,
                   keepdims=True)
    idx_ref[...] = idxm.T[0]

    loss_ref[0, 0] += jnp.sum(minv + znsq) * _LOSS_SCALE


def _tc_stage(zr, embedding):
    return pl.pallas_call(
        _vq_body,
        grid=(_GRID,),
        in_specs=[
            pl.BlockSpec((_R, D), lambda i: (i, 0)),
            pl.BlockSpec((K, D), lambda i: (0, 0)),
        ],
        out_specs=[
            pl.BlockSpec((_R,), lambda i: (i,)),
            pl.BlockSpec((1, 1), lambda i: (0, 0), memory_space=pltpu.SMEM),
            pl.BlockSpec((K, D), lambda i: (0, 0)),
        ],
        out_shape=[
            jax.ShapeDtypeStruct((N,), jnp.int32),
            jax.ShapeDtypeStruct((1, 1), jnp.float32),
            jax.ShapeDtypeStruct((K, D), jnp.float32),
        ],
        scratch_shapes=[pltpu.VMEM((D, K), jnp.float32),
                        pltpu.VMEM((1, K), jnp.float32)],
    )(zr, embedding)


@functools.partial(
    pl.kernel,
    out_type=jax.ShapeDtypeStruct((N, D), jnp.float32),
    mesh=plsc.VectorSubcoreMesh(core_axis_name="c", subcore_axis_name="s"),
    compiler_params=pltpu.CompilerParams(needs_layout_passes=False),
    scratch_types=[
        pltpu.VMEM((_NI, _ICH), jnp.int32),
        pltpu.VMEM((_RPW, D), jnp.float32),
        pltpu.SemaphoreType.DMA,
    ],
)
def _sc_gather(en_hbm, idx2_hbm, out_hbm, idx_v, rows_v, sem):
    wid = lax.axis_index("s") * _NC + lax.axis_index("c")
    pltpu.sync_copy(idx2_hbm.at[pl.ds(wid * _NI, _NI)], idx_v)
    copies = [
        pltpu.async_copy(en_hbm.at[idx_v.at[j]],
                         rows_v.at[pl.ds(j * _ICH, _ICH)], sem)
        for j in range(_NI)
    ]
    for j, cp in enumerate(copies):
        cp.wait()
        pltpu.sync_copy(rows_v.at[pl.ds(j * _ICH, _ICH)],
                        out_hbm.at[pl.ds(wid * _RPW + j * _ICH, _ICH)])


def kernel(z, embedding):
    zr = jnp.transpose(z, (0, 2, 3, 1)).reshape(N, D)
    idx, loss, en = _tc_stage(zr, embedding)
    zq_rows = _sc_gather(en, idx.reshape(N // _ICH, _ICH))
    zq = jnp.transpose(zq_rows.reshape(B, 32, 32, D), (0, 3, 1, 2))
    return (zq, idx, loss[0, 0])

# --- scband reference (transcript-rebuilt; emitter-appended) ---
"""Pipeline reference for scband-codebook-30159260353213 (READ-ONLY COPY).

The authoritative reference and input builder live on the scoring server;
editing this copy changes nothing except your own understanding.
"""

import jax, jax.numpy as jnp
import numpy as np

BETA = 0.25

def l2_norm(x):
    n = jnp.sqrt(jnp.sum(x * x, axis=-1, keepdims=True))
    return x / jnp.maximum(n, 1e-12)

def setup_inputs(seed: int = 0) -> dict:
    key = jax.random.key(seed)
    k1, k2 = jax.random.split(key)
    z = jax.random.normal(k1, (8, 256, 32, 32), dtype=jnp.float32)
    embedding = jax.random.uniform(k2, (1024, 256), dtype=jnp.float32, minval=-1.0 / 1024.0, maxval=1.0 / 1024.0)
    return {"z": z, "embedding": embedding}

def reference(z, embedding):
    # b d h w -> b h w d
    zt = jnp.transpose(z, (0, 2, 3, 1))
    zt = l2_norm(zt)
    b, h, w, d = zt.shape
    z_flat = zt.reshape(-1, d)
    embedd_norm = l2_norm(embedding)
    dist = (jnp.sum(z_flat ** 2, axis=1, keepdims=True)
            + jnp.sum(embedd_norm ** 2, axis=1)
            - 2.0 * (z_flat @ embedd_norm.T))
    min_encoding_indices = jnp.argmin(dist, axis=1)
    z_q = jnp.take(embedding, min_encoding_indices, axis=0)
    z_q = z_q.reshape(b, h, w, d)
    z_q = l2_norm(z_q)
    loss = (jnp.mean((jax.lax.stop_gradient(z_q) - zt) ** 2)
            + BETA * jnp.mean((z_q - jax.lax.stop_gradient(zt)) ** 2))
    z_q = zt + jax.lax.stop_gradient(z_q - zt)
    # b h w d -> b d h w
    z_q = jnp.transpose(z_q, (0, 3, 1, 2))
    return (z_q, min_encoding_indices, loss)

if __name__ == "__main__":
    import jax
    _d = setup_inputs()
    print(jax.jit(kernel)(*tuple(_d.values())))

</pallas_src>

<mosaic_0001>
#map = affine_map<(d0, d1) -> (0, 0)>
module attributes {stable_mosaic.version = 14 : i64} {
  func.func @_sc_gather(%arg0: i32, %arg1: i32, %arg2: memref<1024x256xf32, #tpu.memory_space<hbm>>, %arg3: memref<64x128xi32, #tpu.memory_space<hbm>>, %arg4: memref<8192x256xf32, #tpu.memory_space<hbm>>, %arg5: memref<2x128xi32, #tpu.memory_space<vmem>>, %arg6: memref<256x256xf32, #tpu.memory_space<vmem>>, %arg7: memref<!tpu.dma_semaphore, #tpu.memory_space<semaphore_mem>>) attributes {dimension_semantics = [#tpu.dimension_semantics<core_parallel>, #tpu.dimension_semantics<subcore_parallel>], iteration_bounds = array<i64: 2, 16>, scalar_prefetch = 0 : i64, scratch_operands = 3 : i64, tpu.core_type = #tpu.core_type<sc_vector_subcore>, window_params = [{transform_indices = #map}, {transform_indices = #map}, {transform_indices = #map}]} {
    %mul3A = arith.constant 2 : i32
    %mul3A_0 = arith.muli %arg1, %mul3A : i32
    %add3A = arith.addi %mul3A_0, %arg0 : i32
    %mul3A_1 = arith.constant 2 : i32
    %mul3A_2 = arith.muli %add3A, %mul3A_1 : i32
    "tpu.region"() ({
      %run_scoped3A = tpu.sem_alloc : memref<!tpu.dma_semaphore, #tpu.memory_space<semaphore_mem>>
      %dma_start3A_49 = arith.constant 0 : i32
      %dma_start3A_50 = tpu.memref_slice %arg3[%mul3A_2, %dma_start3A_49] : memref<64x128xi32, #tpu.memory_space<hbm>> -> memref<2x128xi32, #tpu.memory_space<hbm>>
      %dma_start3A_51 = arith.constant 0 : i32
      %dma_start3A_52 = tpu.memref_slice %arg3[%mul3A_2, %dma_start3A_51] : memref<64x128xi32, #tpu.memory_space<hbm>> -> memref<2x128xi32, #tpu.memory_space<hbm>>
      tpu.enqueue_dma source(%dma_start3A_52 : memref<2x128xi32, #tpu.memory_space<hbm>>) target(%arg5 : memref<2x128xi32, #tpu.memory_space<vmem>>) target_semaphore(%run_scoped3A : memref<!tpu.dma_semaphore, #tpu.memory_space<semaphore_mem>>)
      %dma_wait3A_53 = arith.constant 0 : i32
      %dma_wait3A_54 = tpu.memref_slice %arg3[%mul3A_2, %dma_wait3A_53] : memref<64x128xi32, #tpu.memory_space<hbm>> -> memref<2x128xi32, #tpu.memory_space<hbm>>
      %dma_wait3A_55 = arith.constant 0 : i32
      %dma_wait3A_56 = tpu.memref_slice %arg3[%mul3A_2, %dma_wait3A_55] : memref<64x128xi32, #tpu.memory_space<hbm>> -> memref<2x128xi32, #tpu.memory_space<hbm>>
      tpu.wait_dma2 semaphore(%run_scoped3A : memref<!tpu.dma_semaphore, #tpu.memory_space<semaphore_mem>>) src(%dma_wait3A_56 : memref<2x128xi32, #tpu.memory_space<hbm>>) dst(%arg5 : memref<2x128xi32, #tpu.memory_space<vmem>>)
      tpu.yield
    }) : () -> ()
    %dma_start3A = arith.constant 0 : i32
    %dma_start3A_3 = arith.constant 0 : i32
    %dma_start3A_4 = arith.constant 0 : i32
    %dma_start3A_5 = tpu.memref_slice %arg6[%dma_start3A_3, %dma_start3A_4] : memref<256x256xf32, #tpu.memory_space<vmem>> -> memref<128x256xf32, #tpu.memory_space<vmem>>
    %dma_start3A_6 = arith.constant 0 : i32
    %dma_start3A_7 = tpu.memref_slice %arg5[%dma_start3A, %dma_start3A_6] : memref<2x128xi32, #tpu.memory_space<vmem>> -> memref<1x128xi32, #tpu.memory_space<vmem>>
    %dma_start3A_8 = tpu.memref_squeeze %dma_start3A_7 : memref<1x128xi32, #tpu.memory_space<vmem>> -> memref<128xi32, #tpu.memory_space<vmem>>
    %dma_start3A_9 = arith.constant 0 : i32
    %dma_start3A_10 = arith.constant 0 : i32
    %dma_start3A_11 = tpu.memref_slice %arg2[%dma_start3A_9, %dma_start3A_10] : memref<1024x256xf32, #tpu.memory_space<hbm>> -> memref<1024x256xf32, #tpu.memory_space<hbm>>
    tpu.enqueue_indirect_dma source(%dma_start3A_11 : memref<1024x256xf32, #tpu.memory_space<hbm>>) target(%dma_start3A_5 : memref<128x256xf32, #tpu.memory_space<vmem>>) offsets(%dma_start3A_8 : memref<128xi32, #tpu.memory_space<vmem>>) semaphore(%arg7 : memref<!tpu.dma_semaphore, #tpu.memory_space<semaphore_mem>>)
    %dma_start3A_12 = arith.constant 1 : i32
    %dma_start3A_13 = arith.constant 128 : i32
    %dma_start3A_14 = arith.constant 0 : i32
    %dma_start3A_15 = tpu.memref_slice %arg6[%dma_start3A_13, %dma_start3A_14] : memref<256x256xf32, #tpu.memory_space<vmem>> -> memref<128x256xf32, #tpu.memory_space<vmem>>
    %dma_start3A_16 = arith.constant 0 : i32
    %dma_start3A_17 = tpu.memref_slice %arg5[%dma_start3A_12, %dma_start3A_16] : memref<2x128xi32, #tpu.memory_space<vmem>> -> memref<1x128xi32, #tpu.memory_space<vmem>>
    %dma_start3A_18 = tpu.memref_squeeze %dma_start3A_17 : memref<1x128xi32, #tpu.memory_space<vmem>> -> memref<128xi32, #tpu.memory_space<vmem>>
    %dma_start3A_19 = arith.constant 0 : i32
    %dma_start3A_20 = arith.constant 0 : i32
    %dma_start3A_21 = tpu.memref_slice %arg2[%dma_start3A_19, %dma_start3A_20] : memref<1024x256xf32, #tpu.memory_space<hbm>> -> memref<1024x256xf32, #tpu.memory_space<hbm>>
    tpu.enqueue_indirect_dma source(%dma_start3A_21 : memref<1024x256xf32, #tpu.memory_space<hbm>>) target(%dma_start3A_15 : memref<128x256xf32, #tpu.memory_space<vmem>>) offsets(%dma_start3A_18 : memref<128xi32, #tpu.memory_space<vmem>>) semaphore(%arg7 : memref<!tpu.dma_semaphore, #tpu.memory_space<semaphore_mem>>)
    %dma_wait3A = arith.constant 0 : i32
    %dma_wait3A_22 = arith.constant 0 : i32
    %dma_wait3A_23 = arith.constant 0 : i32
    %dma_wait3A_24 = tpu.memref_slice %arg6[%dma_wait3A_22, %dma_wait3A_23] : memref<256x256xf32, #tpu.memory_space<vmem>> -> memref<128x256xf32, #tpu.memory_space<vmem>>
    %dma_wait3A_25 = arith.constant 0 : i32
    %dma_wait3A_26 = tpu.memref_slice %arg5[%dma_wait3A, %dma_wait3A_25] : memref<2x128xi32, #tpu.memory_space<vmem>> -> memref<1x128xi32, #tpu.memory_space<vmem>>
    %dma_wait3A_27 = tpu.memref_squeeze %dma_wait3A_26 : memref<1x128xi32, #tpu.memory_space<vmem>> -> memref<128xi32, #tpu.memory_space<vmem>>
    %dma_wait3A_28 = arith.constant 0 : i32
    %dma_wait3A_29 = arith.constant 0 : i32
    %dma_wait3A_30 = tpu.memref_slice %arg2[%dma_wait3A_28, %dma_wait3A_29] : memref<1024x256xf32, #tpu.memory_space<hbm>> -> memref<1024x256xf32, #tpu.memory_space<hbm>>
    tpu.wait_indirect_dma semaphore(%arg7 : memref<!tpu.dma_semaphore, #tpu.memory_space<semaphore_mem>>) src(%dma_wait3A_30 : memref<1024x256xf32, #tpu.memory_space<hbm>>) dst(%dma_wait3A_24 : memref<128x256xf32, #tpu.memory_space<vmem>>)
    %mul3A_31 = arith.constant 256 : i32
    %mul3A_32 = arith.muli %add3A, %mul3A_31 : i32
    %add3A_33 = arith.constant 0 : i32
    %add3A_34 = arith.addi %mul3A_32, %add3A_33 : i32
    "tpu.region"() ({
      %run_scoped3A = tpu.sem_alloc : memref<!tpu.dma_semaphore, #tpu.memory_space<semaphore_mem>>
      %dma_start3A_49 = arith.constant 0 : i32
      %dma_start3A_50 = arith.constant 0 : i32
      %dma_start3A_51 = tpu.memref_slice %arg6[%dma_start3A_49, %dma_start3A_50] : memref<256x256xf32, #tpu.memory_space<vmem>> -> memref<128x256xf32, #tpu.memory_space<vmem>>
      %dma_start3A_52 = arith.constant 0 : i32
      %dma_start3A_53 = tpu.memref_slice %arg4[%add3A_34, %dma_start3A_52] : memref<8192x256xf32, #tpu.memory_space<hbm>> -> memref<128x256xf32, #tpu.memory_space<hbm>>
      %dma_start3A_54 = arith.constant 0 : i32
      %dma_start3A_55 = tpu.memref_slice %arg4[%add3A_34, %dma_start3A_54] : memref<8192x256xf32, #tpu.memory_space<hbm>> -> memref<128x256xf32, #tpu.memory_space<hbm>>
      %dma_start3A_56 = arith.constant 0 : i32
      %dma_start3A_57 = arith.constant 0 : i32
      %dma_start3A_58 = tpu.memref_slice %arg6[%dma_start3A_56, %dma_start3A_57] : memref<256x256xf32, #tpu.memory_space<vmem>> -> memref<128x256xf32, #tpu.memory_space<vmem>>
      tpu.enqueue_dma source(%dma_start3A_58 : memref<128x256xf32, #tpu.memory_space<vmem>>) target(%dma_start3A_55 : memref<128x256xf32, #tpu.memory_space<hbm>>) target_semaphore(%run_scoped3A : memref<!tpu.dma_semaphore, #tpu.memory_space<semaphore_mem>>)
      %dma_wait3A_59 = arith.constant 0 : i32
      %dma_wait3A_60 = arith.constant 0 : i32
      %dma_wait3A_61 = tpu.memref_slice %arg6[%dma_wait3A_59, %dma_wait3A_60] : memref<256x256xf32, #tpu.memory_space<vmem>> -> memref<128x256xf32, #tpu.memory_space<vmem>>
      %dma_wait3A_62 = arith.constant 0 : i32
      %dma_wait3A_63 = tpu.memref_slice %arg4[%add3A_34, %dma_wait3A_62] : memref<8192x256xf32, #tpu.memory_space<hbm>> -> memref<128x256xf32, #tpu.memory_space<hbm>>
      %dma_wait3A_64 = arith.constant 0 : i32
      %dma_wait3A_65 = tpu.memref_slice %arg4[%add3A_34, %dma_wait3A_64] : memref<8192x256xf32, #tpu.memory_space<hbm>> -> memref<128x256xf32, #tpu.memory_space<hbm>>
      %dma_wait3A_66 = arith.constant 0 : i32
      %dma_wait3A_67 = arith.constant 0 : i32
      %dma_wait3A_68 = tpu.memref_slice %arg6[%dma_wait3A_66, %dma_wait3A_67] : memref<256x256xf32, #tpu.memory_space<vmem>> -> memref<128x256xf32, #tpu.memory_space<vmem>>
      tpu.wait_dma2 semaphore(%run_scoped3A : memref<!tpu.dma_semaphore, #tpu.memory_space<semaphore_mem>>) src(%dma_wait3A_68 : memref<128x256xf32, #tpu.memory_space<vmem>>) dst(%dma_wait3A_65 : memref<128x256xf32, #tpu.memory_space<hbm>>)
      tpu.yield
    }) : () -> ()
    %dma_wait3A_35 = arith.constant 1 : i32
    %dma_wait3A_36 = arith.constant 128 : i32
    %dma_wait3A_37 = arith.constant 0 : i32
    %dma_wait3A_38 = tpu.memref_slice %arg6[%dma_wait3A_36, %dma_wait3A_37] : memref<256x256xf32, #tpu.memory_space<vmem>> -> memref<128x256xf32, #tpu.memory_space<vmem>>
    %dma_wait3A_39 = arith.constant 0 : i32
    %dma_wait3A_40 = tpu.memref_slice %arg5[%dma_wait3A_35, %dma_wait3A_39] : memref<2x128xi32, #tpu.memory_space<vmem>> -> memref<1x128xi32, #tpu.memory_space<vmem>>
    %dma_wait3A_41 = tpu.memref_squeeze %dma_wait3A_40 : memref<1x128xi32, #tpu.memory_space<vmem>> -> memref<128xi32, #tpu.memory_space<vmem>>
    %dma_wait3A_42 = arith.constant 0 : i32
    %dma_wait3A_43 = arith.constant 0 : i32
    %dma_wait3A_44 = tpu.memref_slice %arg2[%dma_wait3A_42, %dma_wait3A_43] : memref<1024x256xf32, #tpu.memory_space<hbm>> -> memref<1024x256xf32, #tpu.memory_space<hbm>>
    tpu.wait_indirect_dma semaphore(%arg7 : memref<!tpu.dma_semaphore, #tpu.memory_space<semaphore_mem>>) src(%dma_wait3A_44 : memref<1024x256xf32, #tpu.memory_space<hbm>>) dst(%dma_wait3A_38 : memref<128x256xf32, #tpu.memory_space<vmem>>)
    %mul3A_45 = arith.constant 256 : i32
    %mul3A_46 = arith.muli %add3A, %mul3A_45 : i32
    %add3A_47 = arith.constant 128 : i32
    %add3A_48 = arith.addi %mul3A_46, %add3A_47 : i32
    "tpu.region"() ({
      %run_scoped3A = tpu.sem_alloc : memref<!tpu.dma_semaphore, #tpu.memory_space<semaphore_mem>>
      %dma_start3A_49 = arith.constant 128 : i32
      %dma_start3A_50 = arith.constant 0 : i32
      %dma_start3A_51 = tpu.memref_slice %arg6[%dma_start3A_49, %dma_start3A_50] : memref<256x256xf32, #tpu.memory_space<vmem>> -> memref<128x256xf32, #tpu.memory_space<vmem>>
      %dma_start3A_52 = arith.constant 0 : i32
      %dma_start3A_53 = tpu.memref_slice %arg4[%add3A_48, %dma_start3A_52] : memref<8192x256xf32, #tpu.memory_space<hbm>> -> memref<128x256xf32, #tpu.memory_space<hbm>>
      %dma_start3A_54 = arith.constant 0 : i32
      %dma_start3A_55 = tpu.memref_slice %arg4[%add3A_48, %dma_start3A_54] : memref<8192x256xf32, #tpu.memory_space<hbm>> -> memref<128x256xf32, #tpu.memory_space<hbm>>
      %dma_start3A_56 = arith.constant 128 : i32
      %dma_start3A_57 = arith.constant 0 : i32
      %dma_start3A_58 = tpu.memref_slice %arg6[%dma_start3A_56, %dma_start3A_57] : memref<256x256xf32, #tpu.memory_space<vmem>> -> memref<128x256xf32, #tpu.memory_space<vmem>>
      tpu.enqueue_dma source(%dma_start3A_58 : memref<128x256xf32, #tpu.memory_space<vmem>>) target(%dma_start3A_55 : memref<128x256xf32, #tpu.memory_space<hbm>>) target_semaphore(%run_scoped3A : memref<!tpu.dma_semaphore, #tpu.memory_space<semaphore_mem>>)
      %dma_wait3A_59 = arith.constant 128 : i32
      %dma_wait3A_60 = arith.constant 0 : i32
      %dma_wait3A_61 = tpu.memref_slice %arg6[%dma_wait3A_59, %dma_wait3A_60] : memref<256x256xf32, #tpu.memory_space<vmem>> -> memref<128x256xf32, #tpu.memory_space<vmem>>
      %dma_wait3A_62 = arith.constant 0 : i32
      %dma_wait3A_63 = tpu.memref_slice %arg4[%add3A_48, %dma_wait3A_62] : memref<8192x256xf32, #tpu.memory_space<hbm>> -> memref<128x256xf32, #tpu.memory_space<hbm>>
      %dma_wait3A_64 = arith.constant 0 : i32
      %dma_wait3A_65 = tpu.memref_slice %arg4[%add3A_48, %dma_wait3A_64] : memref<8192x256xf32, #tpu.memory_space<hbm>> -> memref<128x256xf32, #tpu.memory_space<hbm>>
      %dma_wait3A_66 = arith.constant 128 : i32
      %dma_wait3A_67 = arith.constant 0 : i32
      %dma_wait3A_68 = tpu.memref_slice %arg6[%dma_wait3A_66, %dma_wait3A_67] : memref<256x256xf32, #tpu.memory_space<vmem>> -> memref<128x256xf32, #tpu.memory_space<vmem>>
      tpu.wait_dma2 semaphore(%run_scoped3A : memref<!tpu.dma_semaphore, #tpu.memory_space<semaphore_mem>>) src(%dma_wait3A_68 : memref<128x256xf32, #tpu.memory_space<vmem>>) dst(%dma_wait3A_65 : memref<128x256xf32, #tpu.memory_space<hbm>>)
      tpu.yield
    }) : () -> ()
    return
  }
}

module attributes {stable_mosaic.version = 14 : i64} {
  func.func @_vq_body(%arg0: i32, %arg1: memref<2048x256xf32, #tpu.memory_space<vmem>>, %arg2: memref<1024x256xf32, #tpu.memory_space<vmem>>, %arg3: memref<2048xi32, #tpu.memory_space<vmem>>, %arg4: memref<1x1xf32, #tpu.memory_space<smem>>, %arg5: memref<1024x256xf32, #tpu.memory_space<vmem>>, %arg6: memref<256x1024xf32, #tpu.memory_space<vmem>>, %arg7: memref<1x1024xf32, #tpu.memory_space<vmem>>) attributes {dimension_semantics = [#tpu.dimension_semantics<arbitrary>], iteration_bounds = array<i64: 4>, scalar_prefetch = 0 : i64, scratch_operands = 2 : i64, tpu.core_type = #tpu.core_type<tc>, window_params = [{transform_indices = @transform_0, window_bounds = array<i64: 2048, 256>}, {pipeline_mode = #tpu.pipeline_mode<synchronous>, transform_indices = @transform_1, window_bounds = array<i64: 1024, 256>}, {transform_indices = @transform_2, window_bounds = array<i64: 2048>}, {transform_indices = @transform_3, window_bounds = array<i64: 1, 1>}, {pipeline_mode = #tpu.pipeline_mode<synchronous>, transform_indices = @transform_4, window_bounds = array<i64: 1024, 256>}]} {
    %eq3A = arith.constant 0 : i32
    %eq3A_0 = arith.cmpi eq, %arg0, %eq3A : i32
    %convert_element_type3A = arith.extui %eq3A_0 : i1 to i32
    %cond3A = arith.constant 0 : i32
    %cond3A_1 = arith.cmpi ne, %convert_element_type3A, %cond3A : i32
    scf.if %cond3A_1 {
      %get3A_45 = arith.constant 0 : index
      %get3A_46 = arith.constant 0 : index
      %get3A_47 = vector.load %arg2[%get3A_45, %get3A_46] : memref<1024x256xf32, #tpu.memory_space<vmem>>, vector<1024x256xf32>
      %mul3A_48 = arith.mulf %get3A_47, %get3A_47 : vector<1024x256xf32>
      %reduce_sum3A_49 = arith.constant dense<0.000000e+00> : vector<1024xf32>
      %reduce_sum3A_50 = vector.multi_reduction <add>, %mul3A_48, %reduce_sum3A_49 [1] : vector<1024x256xf32> to vector<1024xf32>
      %broadcast_in_dim3A_51 = vector.shape_cast %reduce_sum3A_50 : vector<1024xf32> to vector<1024x1xf32>
      %sqrt3A_52 = math.sqrt %broadcast_in_dim3A_51 : vector<1024x1xf32>
      %max3A_53 = arith.constant 9.99999996E-13 : f32
      %max3A_54 = vector.broadcast %max3A_53 : f32 to vector<1024x1xf32>
      %max3A_55 = arith.maximumf %sqrt3A_52, %max3A_54 : vector<1024x1xf32>
      %div3A_56 = arith.constant 1.000000e+00 : f32
      %div3A_57 = vector.broadcast %div3A_56 : f32 to vector<1024x1xf32>
      %div3A_58 = arith.divf %div3A_57, %max3A_55 : vector<1024x1xf32>
      %mul3A_59 = vector.broadcast %div3A_58 : vector<1024x1xf32> to vector<1024x256xf32>
      %mul3A_60 = arith.mulf %get3A_47, %mul3A_59 : vector<1024x256xf32>
      %swap3A_61 = arith.constant 0 : index
      %swap3A_62 = arith.constant 0 : index
      %swap3A_63 = vector.load %arg5[%swap3A_61, %swap3A_62] : memref<1024x256xf32, #tpu.memory_space<vmem>>, vector<1024x256xf32>
      tpu.vector_store %arg5[%swap3A_61, %swap3A_62], %mul3A_60 {strides = array<i32>} : memref<1024x256xf32, #tpu.memory_space<vmem>>, vector<1024x256xf32>,
      %transpose3A_64 = tpu.transpose %mul3A_60, [1, 0] : vector<1024x256xf32> -> vector<256x1024xf32>
      %mul3A_65 = arith.constant -2.000000e+00 : f32
      %mul3A_66 = vector.broadcast %mul3A_65 : f32 to vector<256x1024xf32>
      %mul3A_67 = arith.mulf %mul3A_66, %transpose3A_64 : vector<256x1024xf32>
      %swap3A_68 = arith.constant 0 : index
      %swap3A_69 = arith.constant 0 : index
      %swap3A_70 = vector.load %arg6[%swap3A_68, %swap3A_69] : memref<256x1024xf32, #tpu.memory_space<vmem>>, vector<256x1024xf32>
      tpu.vector_store %arg6[%swap3A_68, %swap3A_69], %mul3A_67 {strides = array<i32>} : memref<256x1024xf32, #tpu.memory_space<vmem>>, vector<256x1024xf32>,
      %mul3A_71 = arith.mulf %mul3A_67, %mul3A_67 : vector<256x1024xf32>
      %reduce_sum3A_72 = arith.constant dense<0.000000e+00> : vector<1024xf32>
      %reduce_sum3A_73 = vector.multi_reduction <add>, %mul3A_71, %reduce_sum3A_72 [0] : vector<256x1024xf32> to vector<1024xf32>
      %broadcast_in_dim3A_74 = vector.shape_cast %reduce_sum3A_73 : vector<1024xf32> to vector<1x1024xf32>
      %mul3A_75 = arith.constant 2.500000e-01 : f32
      %mul3A_76 = vector.broadcast %mul3A_75 : f32 to vector<1x1024xf32>
      %mul3A_77 = arith.mulf %mul3A_76, %broadcast_in_dim3A_74 : vector<1x1024xf32>
      %swap3A_78 = arith.constant 0 : index
      %swap3A_79 = arith.constant 0 : index
      %swap3A_80 = vector.load %arg7[%swap3A_78, %swap3A_79] : memref<1x1024xf32, #tpu.memory_space<vmem>>, vector<1x1024xf32>
      tpu.vector_store %arg7[%swap3A_78, %swap3A_79], %mul3A_77 {strides = array<i32>} : memref<1x1024xf32, #tpu.memory_space<vmem>>, vector<1x1024xf32>,
      %swap3A_81 = arith.constant 0.000000e+00 : f32
      %swap3A_82 = arith.constant 0 : index
      %swap3A_83 = arith.constant 0 : index
      %swap3A_84 = memref.load %arg4[%swap3A_82, %swap3A_83] : memref<1x1xf32, #tpu.memory_space<smem>>
      memref.store %swap3A_81, %arg4[%swap3A_82, %swap3A_83] : memref<1x1xf32, #tpu.memory_space<smem>>
    } else {
    }
    %get3A = arith.constant 0 : index
    %get3A_2 = arith.constant 0 : index
    %get3A_3 = vector.load %arg6[%get3A, %get3A_2] : memref<256x1024xf32, #tpu.memory_space<vmem>>, vector<256x1024xf32>
    %get3A_4 = arith.constant 0 : index
    %get3A_5 = arith.constant 0 : index
    %get3A_6 = vector.load %arg7[%get3A_4, %get3A_5] : memref<1x1024xf32, #tpu.memory_space<vmem>>, vector<1x1024xf32>
    %get3A_7 = arith.constant 0 : index
    %get3A_8 = arith.constant 0 : index
    %get3A_9 = vector.load %arg1[%get3A_7, %get3A_8] : memref<2048x256xf32, #tpu.memory_space<vmem>>, vector<2048x256xf32>
    %mul3A = arith.mulf %get3A_9, %get3A_9 : vector<2048x256xf32>
    %reduce_sum3A = arith.constant dense<0.000000e+00> : vector<2048xf32>
    %reduce_sum3A_10 = vector.multi_reduction <add>, %mul3A, %reduce_sum3A [1] : vector<2048x256xf32> to vector<2048xf32>
    %broadcast_in_dim3A = vector.shape_cast %reduce_sum3A_10 : vector<2048xf32> to vector<2048x1xf32>
    %sqrt3A = math.sqrt %broadcast_in_dim3A : vector<2048x1xf32>
    %max3A = arith.constant 9.99999996E-13 : f32
    %max3A_11 = vector.broadcast %max3A : f32 to vector<2048x1xf32>
    %max3A_12 = arith.maximumf %sqrt3A, %max3A_11 : vector<2048x1xf32>
    %div3A = arith.constant 1.000000e+00 : f32
    %div3A_13 = vector.broadcast %div3A : f32 to vector<2048x1xf32>
    %div3A_14 = arith.divf %div3A_13, %max3A_12 : vector<2048x1xf32>
    %mul3A_15 = vector.broadcast %div3A_14 : vector<2048x1xf32> to vector<2048x256xf32>
    %mul3A_16 = arith.mulf %get3A_9, %mul3A_15 : vector<2048x256xf32>
    %mul3A_17 = arith.mulf %broadcast_in_dim3A, %div3A_14 : vector<2048x1xf32>
    %mul3A_18 = arith.mulf %mul3A_17, %div3A_14 : vector<2048x1xf32>
    %dot_general3A = arith.constant dense<0.000000e+00> : vector<2048x1024xf32>
    %dot_general3A_19 = tpu.matmul %mul3A_16, %get3A_3, %dot_general3A {dimension_numbers = #tpu.dot_dimension_numbers<[1], [0], [0], [1], [0, 0, 1, 1], [], []>, transpose_lhs_hint = false} : vector<2048x256xf32>, vector<256x1024xf32>, vector<2048x1024xf32> -> vector<2048x1024xf32>
    %add3A = vector.broadcast %get3A_6 : vector<1x1024xf32> to vector<2048x1024xf32>
    %add3A_20 = arith.addf %dot_general3A_19, %add3A : vector<2048x1024xf32>
    %reduce_min3A = arith.constant dense<0x7F800000> : vector<2048xf32>
    %reduce_min3A_21 = vector.multi_reduction <minimumf>, %add3A_20, %reduce_min3A [1] : vector<2048x1024xf32> to vector<2048xf32>
    %broadcast_in_dim3A_22 = vector.shape_cast %reduce_min3A_21 : vector<2048xf32> to vector<2048x1xf32>
    %iota3A = tpu.iota {dimensions = array<i32: 1>} : vector<2048x1024xi32>
    %eq3A_23 = vector.broadcast %broadcast_in_dim3A_22 : vector<2048x1xf32> to vector<2048x1024xf32>
    %eq3A_24 = arith.cmpf oeq, %add3A_20, %eq3A_23 : vector<2048x1024xf32>
    %jit3A = arith.constant 1073741824 : i32
    %broadcast_in_dim3A_25 = vector.broadcast %jit3A : i32 to vector<2048x1024xi32>
    %select_n3A = arith.select %eq3A_24, %iota3A, %broadcast_in_dim3A_25 : vector<2048x1024xi1>, vector<2048x1024xi32>
    %reduce_min3A_26 = arith.constant dense<2147483647> : vector<2048xi32>
    %reduce_min3A_27 = vector.multi_reduction <minsi>, %select_n3A, %reduce_min3A_26 [1] : vector<2048x1024xi32> to vector<2048xi32>
    %broadcast_in_dim3A_28 = vector.shape_cast %reduce_min3A_27 : vector<2048xi32> to vector<2048x1xi32>
    %transpose3A = tpu.transpose %broadcast_in_dim3A_28, [1, 0] : vector<2048x1xi32> -> vector<1x2048xi32>
    %squeeze3A = vector.shape_cast %transpose3A : vector<1x2048xi32> to vector<2048xi32>
    %swap3A = arith.constant 0 : index
    %swap3A_29 = vector.load %arg3[%swap3A] : memref<2048xi32, #tpu.memory_space<vmem>>, vector<2048xi32>
    tpu.vector_store %arg3[%swap3A], %squeeze3A {strides = array<i32>} : memref<2048xi32, #tpu.memory_space<vmem>>, vector<2048xi32>,
    %get3A_30 = arith.constant 0 : index
    %get3A_31 = arith.constant 0 : index
    %get3A_32 = memref.load %arg4[%get3A_30, %get3A_31] : memref<1x1xf32, #tpu.memory_space<smem>>
    %add3A_33 = arith.addf %broadcast_in_dim3A_22, %mul3A_18 : vector<2048x1xf32>
    %reduce_sum3A_34 = vector.shape_cast %add3A_33 : vector<2048x1xf32> to vector<1x2048x1xf32>
    %reduce_sum3A_35 = arith.constant dense<0.000000e+00> : vector<1xf32>
    %reduce_sum3A_36 = vector.multi_reduction <add>, %reduce_sum3A_34, %reduce_sum3A_35 [1, 2] : vector<1x2048x1xf32> to vector<1xf32>
    %reduce_sum3A_37 = vector.shape_cast %reduce_sum3A_36 : vector<1xf32> to vector<1x1x1xf32>
    %reduce_sum3A_38 = vector.extract %reduce_sum3A_37[0, 0, 0] : f32 from vector<1x1x1xf32>
    %mul3A_39 = arith.constant 5.96046448E-7 : f32
    %mul3A_40 = arith.mulf %reduce_sum3A_38, %mul3A_39 : f32
    %add3A_41 = arith.addf %get3A_32, %mul3A_40 : f32
    %swap3A_42 = arith.constant 0 : index
    %swap3A_43 = arith.constant 0 : index
    %swap3A_44 = memref.load %arg4[%swap3A_42, %swap3A_43] : memref<1x1xf32, #tpu.memory_space<smem>>
    memref.store %add3A_41, %arg4[%swap3A_42, %swap3A_43] : memref<1x1xf32, #tpu.memory_space<smem>>
    return
  }
  func.func @transform_0(%arg0: i32) -> (i32, i32) {
    %c0_i32 = arith.constant 0 : i32
    %c0_i32_0 = arith.constant 0 : i32
    return %arg0, %c0_i32 : i32, i32
  }
  func.func @transform_1(%arg0: i32) -> (i32, i32) {
    %c0_i32 = arith.constant 0 : i32
    %c0_i32_0 = arith.constant 0 : i32
    %c0_i32_1 = arith.constant 0 : i32
    return %c0_i32, %c0_i32_0 : i32, i32
  }
  func.func @transform_2(%arg0: i32) -> i32 {
    %c0_i32 = arith.constant 0 : i32
    return %arg0 : i32
  }
  func.func @transform_3(%arg0: i32) -> (i32, i32) {
    %c0_i32 = arith.constant 0 : i32
    %c0_i32_0 = arith.constant 0 : i32
    %c0_i32_1 = arith.constant 0 : i32
    return %c0_i32, %c0_i32_0 : i32, i32
  }
  func.func @transform_4(%arg0: i32) -> (i32, i32) {
    %c0_i32 = arith.constant 0 : i32
    %c0_i32_0 = arith.constant 0 : i32
    %c0_i32_1 = arith.constant 0 : i32
    return %c0_i32, %c0_i32_0 : i32, i32
  }
}

</mosaic_0001>

<sc_bundles>
// kernel: kernel.4.cloned.1.call-start
scs
__scs_entry_jumppad:
0x0: {  	(pc) =	sbr.rel $0x88, $3  }
0x1: {  	(tag) =	ssettag $0x0;
	lr =	simm.s32 $0x1  }
0x2: {  	[smem:$0x3F9F] =	sst lr;
	_ =	strace $0xD0000000  }
0x3: {  	_ = 	snop  }
0x4: {  	_ = 	snop  }
0x5: {  	_ = 	snop  }
0x6: {  	_ = 	snop  }
0x7: {  	_ = 	snop  }
__scs_overlays_trampoline_lowered:
0x8: {  	[smem:$0x3FAE] =	sst s0  }
0x9: {  	[smem:$0x3FAF] =	sst s1  }
0xa: {  	[smem:$0x3FB0] =	sst s2  }
0xb: {  	[smem:$0x3FB1] =	sst s3  }
0xc: {  	[smem:$0x3FB2] =	sst s4  }
0xd: {  	[smem:$0x3FB3] =	sst s5  }
0xe: {  	[smem:$0x3FB4] =	sst s6  }
0xf: {  	[smem:$0x3FB5] =	sst s7  }
0x10: {  	[smem:$0x3FB6] =	sst s8  }
0x11: {  	[smem:$0x3FB7] =	sst s9;
	s0 =	simm.s32 @!p0 $0x0  }
0x12: {  	s1 =	sld [smem:$0x3F9D];
	s0 =	simm.s32 @p0 $0x1  }
0x13: {  	[smem:$0x3FB8] =	sst s0;
	s0 =	simm.s32 @!p1 $0x0  }
0x14: {  	s2 =	sld [smem:$0x3F9C];
	s0 =	simm.s32 @p1 $0x1  }
0x15: {  	[smem:$0x3FB9] =	sst s0;
	s0 =	simm.s32 @!p2 $0x0  }
0x16: {  	s3 =	sld [smem:$0x3FDB];
	s0 =	simm.s32 @p2 $0x1  }
0x17: {  	s4 =	simm.s32 $0x1BF5;
	[smem:$0x3FBB] =	sst s0  }
0x18: {  	s0 =	sld [smem:$0x3F9E];
	_ =	swait.ge [sflag:s4], $0x0  }
0x19: {  	s7 =	sld [smem:$0x3F9F]  }
0x1a: {  	s8 =	sadd.s32 $0xFFFFE003, lr  }
0x1b: {  	s9 =	sadd.s32 $0xFFFFFEF7, lr;
	s5 =	simm.s32 $0xFFFFFFFF;
	p2 =	slt.u32 s8, $0xFFFFF086  }
0x1c: {  	p1 =	slt.u32 s9, $0xF7A;
	s5 =	simm.s32 @!p2 $0x0  }
0x1d: {  	s5 =	simm.s32 @p1 $0x1;
	p0 =	seq.s32 s7, s2  }
0x1e: {  	s7 =	smul.u32 @!p0 $0xF7A, s2;
	p2 =	seq.s32 @!p0 s5, $0x0  }
0x1f: {  	s9 =	smul.u32 $0xF7A, s1;
	s8 =	simm.s32 @!p0 $0x1BF5;
	p2 =	por !p2, p0  }
0x20: {  	[sflag:s8] =	ssyncset.s32 @!p0 $0xFFFFF086;
	s6 =	sadd.s32 @!p0 s3, s7;
	s7 =	simm.s32 @!p0 $0x108  }
0x21: {  	s3 =	sadd.s32 s3, s9;
	s6 =	sadd.s32 @!p0 $0x88, s6;
	s7 =	simm.s32 @p2 $0x1082  }
0x22: {  	[simem:s7], [sflag:s8] =	dma.local @!p0 [hbm:s6], $0xF7A  }
0x23: {  	s9 =	sor.u32 $0xD0000000, s2;
	s6 =	simm.s32 $0x108;
	_ =	swait.ge @!p0 [sflag:s8], $0x0  }
0x24: {  	s3 =	sadd.s32 $0x88, s3;
	s6 =	simm.s32 @!p1 $0x1082;
	[sflag:s4] =	ssyncset.s32 $0xFFFFF086  }
0x25: {  	[simem:s6], [sflag:s4] =	dma.local [hbm:s3], $0xF7A  }
0x26: {  	[smem:$0x3F9F] =	sst s1;
	(tag) =	ssettag s2;
	_ =	strace s9  }
0x27: {  	s1 =	sld [smem:$0x3FAF]  }
0x28: {  	s2 =	sld [smem:$0x3FB0]  }
0x29: {  	s4 =	sld [smem:$0x3FB2]  }
0x2a: {  	p0 =	seq.s32 s5, $0x0;
	s5 =	sld [smem:$0x3FB3]  }
0x2b: {  	s6 =	sld [smem:$0x3FB4]  }
0x2c: {  	s7 =	sld [smem:$0x3FB5]  }
0x2d: {  	s3 =	simm.s32 $0x108;
	s8 =	sld [smem:$0x3FB6]  }
0x2e: {  	s3 =	simm.s32 @!p0 $0x1082;
	s9 =	sld [smem:$0x3FB7]  }
0x2f: {  	lr =	sadd.s32 s0, s3;
	s0 =	sld [smem:$0x3FAE]  }
0x30: {  	s3 =	sld [smem:$0x3FB1]  }
0x31: {  	[smem:$0x3FBA] =	sst s10  }
0x32: {  	s10 =	sld [smem:$0x3FB8];
	_ =	sdelay $0x3  }
0x33: {  	p0 =	seq.s32 s10, $0x1;
	s10 =	sld [smem:$0x3FBA];
	_ =	sdelay $0x3  }
0x34: {  	[smem:$0x3FBA] =	sst s10  }
0x35: {  	s10 =	sld [smem:$0x3FB9];
	_ =	sdelay $0x3  }
0x36: {  	p1 =	seq.s32 s10, $0x1;
	s10 =	sld [smem:$0x3FBA];
	_ =	sdelay $0x3  }
0x37: {  	[smem:$0x3FBA] =	sst s10  }
0x38: {  	s10 =	sld [smem:$0x3FBB]  }
0x39: {  	_ = 	snop;
	(pc) =	sbr.ind lr, $3  }
0x3a: {  	_ = 	snop  }
0x3b: {  	_ = 	snop  }
0x3c: {  	p2 =	seq.s32 s10, $0x1;
	s10 =	sld [smem:$0x3FBA]  }
0x3d: {  	_ =	shalt  }
0x3e: {  	_ =	shalt  }
0x3f: {  	_ =	shalt  }
0x40: {  	_ =	shalt  }
0x41: {  	_ =	shalt  }
0x42: {  	_ =	shalt  }
0x43: {  	_ =	shalt  }
0x44: {  	_ =	shalt  }
0x45: {  	_ =	shalt  }
0x46: {  	_ =	shalt  }
0x47: {  	_ =	shalt  }
0x48: {  	_ =	shalt  }
0x49: {  	_ =	shalt  }
0x4a: {  	_ =	shalt  }
0x4b: {  	_ =	shalt  }
0x4c: {  	_ =	shalt  }
0x4d: {  	_ =	shalt  }
0x4e: {  	_ =	shalt  }
0x4f: {  	_ =	shalt  }
0x50: {  	_ =	shalt  }
0x51: {  	_ =	shalt  }
0x52: {  	_ =	shalt  }
0x53: {  	_ =	shalt  }
0x54: {  	_ =	shalt  }
0x55: {  	_ =	shalt  }
0x56: {  	_ =	shalt  }
0x57: {  	_ =	shalt  }
0x58: {  	_ =	shalt  }
0x59: {  	_ =	shalt  }
0x5a: {  	_ =	shalt  }
0x5b: {  	_ =	shalt  }
0x5c: {  	_ =	shalt  }
0x5d: {  	_ =	shalt  }
0x5e: {  	_ =	shalt  }
0x5f: {  	_ =	shalt  }
0x60: {  	_ =	shalt  }
0x61: {  	_ =	shalt  }
0x62: {  	_ =	shalt  }
0x63: {  	_ =	shalt  }
0x64: {  	_ =	shalt  }
0x65: {  	_ =	shalt  }
0x66: {  	_ =	shalt  }
0x67: {  	_ =	shalt  }
0x68: {  	_ =	shalt  }
0x69: {  	_ =	shalt  }
0x6a: {  	_ =	shalt  }
0x6b: {  	_ =	shalt  }
0x6c: {  	_ =	shalt  }
0x6d: {  	_ =	shalt  }
0x6e: {  	_ =	shalt  }
0x6f: {  	_ =	shalt  }
0x70: {  	_ =	shalt  }
0x71: {  	_ =	shalt  }
0x72: {  	_ =	shalt  }
0x73: {  	_ =	shalt  }
0x74: {  	_ =	shalt  }
0x75: {  	_ =	shalt  }
0x76: {  	_ =	shalt  }
0x77: {  	_ =	shalt  }
0x78: {  	_ =	shalt  }
0x79: {  	_ =	shalt  }
0x7a: {  	_ =	shalt  }
0x7b: {  	_ =	shalt  }
0x7c: {  	_ =	shalt  }
0x7d: {  	_ =	shalt  }
0x7e: {  	_ =	shalt  }
0x7f: {  	_ =	shalt  }
0x80: {  	_ =	shalt  }
0x81: {  	_ =	shalt  }
0x82: {  	_ =	shalt  }
0x83: {  	_ =	shalt  }
0x84: {  	_ =	shalt  }
0x85: {  	_ =	shalt  }
0x86: {  	_ =	shalt  }
0x87: {  	_ =	shalt  }
.Lfunc_end0:
.L_simem_size_0:
called_computation_lowered:
.L_overlay_start_0:
0x88: {  	s2 =	sld [smem:$0x3FD9]  }
0x89: {  	s3 =	sld [smem:$0x3FFE];
	_ =	sdelay $0x1  }
0x8a: {  	s1 =	srdreg.scid  }
0x8b: {  	s0 =	sand.u32 $0x1, s1  }
0x8c: {  	s14 =	sshll.u32 s0, $0xA;
	s2 =	sadd.s32 s3, s2  }
0x8d: {  	s2 =	sadd.s32 s2, s14  }
0x8e: {  	[smem:$0x3FC6] =	sst s2  }
0x8f: {  	_ = 	snop  }
0x90: {  	s2 =	sld [smem:$0x3FD0];
	_ =	sdelay $0x2  }
0x91: {  	s15 =	simm.s32 $0xA;
	s4 =	simm.s32 $0x10  }
0x92: {  	[smem:s4], [sflag:s15] =	dma.local [hbm:s2], $0x1  }
0x93: {  	_ =	swait.eq [sflag:s15], $0x1  }
0x94: {  	[sflag:s15] =	ssyncset.done $0x0  }
0x95: {  	s16 =	sld [smem:$0x10];
	[sflag:s15] =	ssyncadd.s32 $0xFFFFFFFF  }
0x96: {  	s17 =	sld [smem:$0x11];
	(tm) =	ssettm $0x1  }
0x97: {  	s18 =	sld [smem:$0x3FFB];
	_ =	sdelay $0x3  }
0x98: {  	_ =	strace s18  }
0x99: {  	s4 =	sld [smem:$0x3FFC];
	_ =	sdelay $0x3  }
0x9a: {  	_ =	strace s4  }
0x9b: {  	s4 =	sld [smem:$0x3FFD];
	_ =	sdelay $0x3  }
0x9c: {  	_ =	strace s4  }
0x9d: {  	_ =	strace $0x8FFFFFFF  }
0x9e: {  	s19 =	sld [smem:$0x3FDB];
	_ =	sdelay $0x1  }
0x9f: {  	s5 =	simm.s32 $_scs_section_size  }
0xa0: {  	s6 =	simm.s32 $_size__tile_overlayer_lowered;
	s7 =	simm.s32 $_tile_overlayer_lowered  }
0xa1: {  	s22 =	simm.s32 $0x1BFF;
	s21 =	sshll.u32 s7, $0x1;
	s4 =	sadd.s32 s5, s19  }
0xa2: {  	s8 =	simm.s32 $0x0;
	s20 =	sshll.u32 s6, $0x1;
	s6 =	sadd.s32 s21, s4  }
0xa3: {  	[timem:s8], [sflag:s22] =	dma.local [hbm:s6], s20  }
0xa4: {  	_ =	swait.ge [sflag:s22], s20  }
0xa5: {  	s5 =	ssub.s32 $0x0, s20;
	[sflag:s22] =	ssyncset.done $0x0  }
0xa6: {  	[sflag:s22] =	ssyncadd.s32 s5;
	_ =	sdelay $0x1  }
0xa7: {  	s23 =	simm.s32 $0x1B8B  }
0xa8: {  	_ =	swait.ge [sflag:s23], $0x1  }
0xa9: {  	[sflag:s23] =	ssyncset.done $0x0  }
0xaa: {  	s25 =	simm.s32 $0x1B8E;
	s24 =	sld [smem:$0x3FFE];
	[sflag:s23] =	ssyncadd.s32 $0xFFFFFFFF  }
0xab: {  	s26 =	simm.s32 $execute0_lowered;
	[smem:$0x3FD2] =	sst s25  }
0xac: {  	s6 =	sshll.u32 s26, $0x1;
	_ =	strace $0x80000046;
	[dreg:$0x1] =	wrdreg $0xFFFFFFFF  }
0xad: {  	s28 =	simm.s32 $_size_execute0_lowered;
	s4 =	sadd.s32 s4, s6;
	[dreg:$0x0] =	wrdreg $0x0  }
0xae: {  	s6 =	sshll.u32 s28, $0x1;
	[dreg:$0x2] =	wrdreg s4  }
0xaf: {  	[dreg:$0x3] =	wrdreg s6  }
0xb0: {  	[dreg:$0x4] =	wrdreg $0xC0  }
0xb1: {  	_ =	task [dreg:s8], $0x5FFFF  }
0xb2: {  	[dreg:$0x1] =	wrdreg $0xFFFFFFFF  }
0xb3: {  	[dreg:$0x0] =	wrdreg $0x60  }
0xb4: {  	[dreg:$0x2] =	wrdreg s24  }
0xb5: {  	[dreg:$0x3] =	wrdreg s17  }
0xb6: {  	[dreg:$0x4] =	wrdreg s16  }
0xb7: {  	[dreg:$0x5] =	wrdreg $0x9  }
0xb8: {  	_ =	task.clear_ibuf [dreg:s8], $0x6FFFF;
	_ =	strace $0x90000046  }
0xb9: {  	s29 =	simm.s32 $0x9;
	_ =	strace $0x80000048  }
0xba: {  	_ =	swait.ge [sflag:s29], $0x1  }
0xbb: {  	[sflag:s29] =	ssyncadd.s32 $0xFFFFFFFF  }
0xbc: {  	_ =	strace $0x90000048  }
0xbd: {  	_ =	sfence  }
0xbe: {  	s30 =	sld [smem:$0x0];
	_ =	sdelay $0x2  }
0xbf: {  	s31 =	sshll.u32 s1, $0xD;
	s1 =	sshrl.u32 s1, $0x2  }
0xc0: {  	s3 =	sand.u32 $0x4000, s31;
	s1 =	sadd.s32 s1, s30  }
0xc1: {  	s0 =	sor.u32 s3, s0;
	s1 =	sshll.u32 s1, $0x11  }
0xc2: {  	s0 =	sor.u32 s1, s0  }
0xc3: {  	s0 =	sadd.s32 $0x8F2B, s0  }
0xc4: {  	[sflag:s0] =	ssyncadd.remote.s32 $0x1  }
0xc5: {  	_ =	sfence.sel $0xFFFF  }
0xc6: {  	[dreg:$0x0] =	wrdreg $0xFFFFFFFF;
	(pc) =	sbr.abs _section_cstart, $3  }
0xc7: {  	[dreg:$0x1] =	wrdreg $0xFFFFFFFF  }
0xc8: {  	_ =	task.clear_ibuf [dreg:s8], $0x2FFFF;
	_ =	strace $0x9FFFFFFF  }
0xc9: {  	(tm) =	ssettm $0x7FFFFFFF  }
tec
execute0_lowered:
.L_overlay_start_1:
0x0: {  	(tag) =	ssettag $0x1  }
0x1: {  	s1 =	rddreg [dreg:$0x0]  }
0x2: {  	s3 =	rddreg [dreg:$0x1]  }
0x3: {  	s2 =	srdreg.scid;
	s0 =	stileid.u32  }
0x4: {  	s4 =	rddreg [dreg:$0x2];
	s18 =	simm.s32 $0x900;
	s19 =	simm.s32 $0x1100  }
0x5: {  	s20 =	simm.s32 $0x1900;
	s21 =	simm.s32 $0x2100;
	s22 =	simm.s32 $0x2900  }
0x6: {  	s24 =	simm.s32 $0x3100;
	s25 =	simm.s32 $0x3900;
	s26 =	simm.s32 $0x4100  }
0x7: {  	s9 =	simm.s32 $0x5100;
	s10 =	simm.s32 $0x5900;
	s11 =	simm.s32 $0x6100  }
0x8: {  	s12 =	simm.s32 $0x6900;
	s5 =	sand.u32 $0x1, s2;
	s2 =	simm.s32 $0x0  }
0x9: {  	s13 =	simm.s32 $0x7100;
	s14 =	simm.s32 $0x7900;
	[smem:$0x7FF] =	sst s2  }
0xa: {  	s15 =	simm.s32 $0x8100;
	_ =	strace $0x80000047;
	[dreg:$0x6] =	wrdreg s18  }
0xb: {  	s16 =	simm.s32 $0x8900;
	s17 =	simm.s32 $0x9100;
	[dreg:$0x7] =	wrdreg s19  }
0xc: {  	s28 =	simm.s32 $0xE100;
	s29 =	simm.s32 $0xE900;
	[dreg:$0x8] =	wrdreg s20  }
0xd: {  	s30 =	simm.s32 $0xF100;
	s6 =	sshll.u32 s0, $0x1;
	[dreg:$0x9] =	wrdreg s21  }
0xe: {  	s31 =	simm.s32 $0xF900;
	s6 =	sor.u32 s5, s6;
	[dreg:$0xa] =	wrdreg s22  }
0xf: {  	s5 =	ssub.s32 $0x2, s5;
	s7 =	sshll.u32 s6, $0x5;
	[dreg:$0xb] =	wrdreg s24  }
0x10: {  	s6 =	sshll.u32 s6, $0xD;
	s23 =	sshrl.u32 s5, $0x1;
	[dreg:$0xc] =	wrdreg s25  }
0x11: {  	[dreg:$0xd] =	wrdreg s26;
	s18 =	simm.s32 $0x9900;
	s19 =	simm.s32 $0xA100  }
0x12: {  	s20 =	simm.s32 $0xA900;
	s21 =	simm.s32 $0xB100;
	s22 =	simm.s32 $0xB900  }
0x13: {  	s24 =	simm.s32 $0xC900;
	s25 =	simm.s32 $0xD100;
	s26 =	simm.s32 $0xD900  }
0x14: {  	s7 =	sadd.s32 s3, s7;
	s3 =	sadd.s32 s4, s6;
	s5 =	ssub.s32 s5, s23  }
0x15: {  	v2 =	vlaneseq.u32;
	s6 =	simm.s32 $0x2;
	s23 =	simm.s32 $0xC100;
	[dreg:$0x4] =	wrdreg s7  }
0x16: {  	vm0 =	vmmov $0xffff;
	v1 =	vshrl.u32 v2, $0x3;
	s4 =	sadd.s32 $0x1000, s3;
	s5 =	smax.u32 s5, $0x1;
	s7 =	simm.s32 $0x100  }
0x17: {  	v0 =	vand.u32 $0x7, v2;
	v2 =	vor.u32 $0x8, v2;
	v1 =	vmul.u32 $0x8, v1;
	[dreg:$0x5] =	wrdreg s4;
	s4 =	sadd.s32 $0xC00, s1;
	s1 =	simm.s32 $0x1  }
.LBB2_1:
0x18: {  	s0 =	rddreg [dreg:$0x4]  }
0x19: {  	[tilespmem:s2], [sflag:$0x2] =	stream.linear.gather [hbm4b:s0+s2], $0x100, $0x38;
	[tilespmem:$0x10100] =	vst v63  }
0x1a: {  	_ =	swait.ge [sflag:s6], $0x100  }
0x1b: {  	[sflag:s6] =	ssyncset.done $0x0  }
0x1c: {  	[sflag:s6] =	ssyncadd.s32 $0xFFFFFF00  }
0x1d: {  	v3 =	vld [tilespmem:$0x0];
	_ =	sdelay $0x4  }
0x1e: {  	v4 =	vshll.u32 v3, $0x1  }
0x1f: {  	v3 =	vand.u32 $0x7, v3;
	v4 =	vand.u32 $0xFFFFFFF0, v4  }
0x20: {  	v3 =	vor.u32 v3, v4  }
0x21: {  	v4 =	vperm.xlane v3, v0;
	_ =	sdelay $0x1  }
0x22: {  	v3 =	vperm.xlane v3, v2;
	v4 =	vadd.s32 v1, v4;
	_ =	sdelay $0x1  }
0x23: {  	v3 =	vadd.s32 v1, v3;
	_ =	sdelay $0x2  }
0x24: {  	[tilespmem:s7], [sflag:$0x1] =	stream.indirect_vreg.gather [hbm4b:s4+s2], $0x80, v4, vm0, $0xb8;
	[tilespmem:$0x10100] =	vst v63  }
0x25: {  	s8 =	rddreg [dreg:$0x6]  }
0x26: {  	[tilespmem:s8], [sflag:$0x1] =	stream.indirect_vreg.gather [hbm4b:s4+s2], $0x80, v3, vm0, $0xb8;
	[tilespmem:$0x10100] =	vst v63  }
0x27: {  	v3 =	vld [tilespmem:$0x10];
	_ =	sdelay $0x4  }
0x28: {  	v49 =	vshll.u32 v3, $0x1  }
0x29: {  	v3 =	vand.u32 $0x7, v3;
	v4 =	vand.u32 $0xFFFFFFF0, v49  }
0x2a: {  	v3 =	vor.u32 v3, v4  }
0x2b: {  	v4 =	vperm.xlane v3, v0;
	_ =	sdelay $0x1  }
0x2c: {  	v3 =	vperm.xlane v3, v2;
	v4 =	vadd.s32 v1, v4;
	_ =	sdelay $0x1  }
0x2d: {  	v3 =	vadd.s32 v1, v3;
	_ =	sdelay $0x1  }
0x2e: {  	s0 =	rddreg [dreg:$0x7]  }
0x2f: {  	[tilespmem:s0], [sflag:$0x1] =	stream.indirect_vreg.gather [hbm4b:s4+s2], $0x80, v4, vm0, $0xb8;
	[tilespmem:$0x10100] =	vst v63  }
0x30: {  	s8 =	rddreg [dreg:$0x8]  }
0x31: {  	[tilespmem:s8], [sflag:$0x1] =	stream.indirect_vreg.gather [hbm4b:s4+s2], $0x80, v3, vm0, $0xb8;
	[tilespmem:$0x10100] =	vst v63  }
0x32: {  	v3 =	vld [tilespmem:$0x20];
	_ =	sdelay $0x4  }
0x33: {  	v50 =	vshll.u32 v3, $0x1  }
0x34: {  	v3 =	vand.u32 $0x7, v3;
	v4 =	vand.u32 $0xFFFFFFF0, v50  }
0x35: {  	v3 =	vor.u32 v3, v4  }
0x36: {  	v4 =	vperm.xlane v3, v0;
	_ =	sdelay $0x1  }
0x37: {  	v3 =	vperm.xlane v3, v2;
	v4 =	vadd.s32 v1, v4;
	_ =	sdelay $0x1  }
0x38: {  	v3 =	vadd.s32 v1, v3;
	_ =	sdelay $0x1  }
0x39: {  	s0 =	rddreg [dreg:$0x9]  }
0x3a: {  	[tilespmem:s0], [sflag:$0x1] =	stream.indirect_vreg.gather [hbm4b:s4+s2], $0x80, v4, vm0, $0xb8;
	[tilespmem:$0x10100] =	vst v63  }
0x3b: {  	s8 =	rddreg [dreg:$0xa]  }
0x3c: {  	[tilespmem:s8], [sflag:$0x1] =	stream.indirect_vreg.gather [hbm4b:s4+s2], $0x80, v3, vm0, $0xb8;
	[tilespmem:$0x10100] =	vst v63  }
0x3d: {  	v3 =	vld [tilespmem:$0x30];
	_ =	sdelay $0x4  }
0x3e: {  	v51 =	vshll.u32 v3, $0x1  }
0x3f: {  	v3 =	vand.u32 $0x7, v3;
	v4 =	vand.u32 $0xFFFFFFF0, v51  }
0x40: {  	v3 =	vor.u32 v3, v4  }
0x41: {  	v4 =	vperm.xlane v3, v0;
	_ =	sdelay $0x1  }
0x42: {  	v3 =	vperm.xlane v3, v2;
	v4 =	vadd.s32 v1, v4;
	_ =	sdelay $0x1  }
0x43: {  	v3 =	vadd.s32 v1, v3;
	_ =	sdelay $0x1  }
0x44: {  	s0 =	rddreg [dreg:$0xb]  }
0x45: {  	[tilespmem:s0], [sflag:$0x1] =	stream.indirect_vreg.gather [hbm4b:s4+s2], $0x80, v4, vm0, $0xb8;
	[tilespmem:$0x10100] =	vst v63  }
0x46: {  	s8 =	rddreg [dreg:$0xc]  }
0x47: {  	[tilespmem:s8], [sflag:$0x1] =	stream.indirect_vreg.gather [hbm4b:s4+s2], $0x80, v3, vm0, $0xb8;
	[tilespmem:$0x10100] =	vst v63  }
0x48: {  	v3 =	vld [tilespmem:$0x40];
	_ =	sdelay $0x4  }
0x49: {  	v52 =	vshll.u32 v3, $0x1  }
0x4a: {  	v3 =	vand.u32 $0x7, v3;
	v4 =	vand.u32 $0xFFFFFFF0, v52  }
0x4b: {  	v3 =	vor.u32 v3, v4  }
0x4c: {  	v4 =	vperm.xlane v3, v0;
	_ =	sdelay $0x1  }
0x4d: {  	v3 =	vperm.xlane v3, v2;
	v4 =	vadd.s32 v1, v4;
	_ =	sdelay $0x1  }
0x4e: {  	v3 =	vadd.s32 v1, v3;
	_ =	sdelay $0x1  }
0x4f: {  	s8 =	rddreg [dreg:$0xd]  }
0x50: {  	[tilespmem:s8], [sflag:$0x1] =	stream.indirect_vreg.gather [hbm4b:s4+s2], $0x80, v4, vm0, $0xb8;
	[tilespmem:$0x10100] =	vst v63  }
0x51: {  	s8 =	simm.s32 $0x4900  }
0x52: {  	[tilespmem:s8], [sflag:$0x1] =	stream.indirect_vreg.gather [hbm4b:s4+s2], $0x80, v3, vm0, $0xb8;
	[tilespmem:$0x10100] =	vst v63  }
0x53: {  	v3 =	vld [tilespmem:$0x50];
	_ =	sdelay $0x4  }
0x54: {  	v53 =	vshll.u32 v3, $0x1  }
0x55: {  	v3 =	vand.u32 $0x7, v3;
	v4 =	vand.u32 $0xFFFFFFF0, v53  }
0x56: {  	v3 =	vor.u32 v3, v4  }
0x57: {  	v4 =	vperm.xlane v3, v0;
	_ =	sdelay $0x1  }
0x58: {  	v3 =	vperm.xlane v3, v2;
	v4 =	vadd.s32 v1, v4;
	_ =	sdelay $0x1  }
0x59: {  	v3 =	vadd.s32 v1, v3;
	_ =	sdelay $0x2  }
0x5a: {  	[tilespmem:s9], [sflag:$0x1] =	stream.indirect_vreg.gather [hbm4b:s4+s2], $0x80, v4, vm0, $0xb8;
	[tilespmem:$0x10100] =	vst v63  }
0x5b: {  	_ = 	snop  }
0x5c: {  	[tilespmem:s10], [sflag:$0x1] =	stream.indirect_vreg.gather [hbm4b:s4+s2], $0x80, v3, vm0, $0xb8;
	[tilespmem:$0x10100] =	vst v63  }
0x5d: {  	v3 =	vld [tilespmem:$0x60];
	_ =	sdelay $0x4  }
0x5e: {  	v54 =	vshll.u32 v3, $0x1  }
0x5f: {  	v3 =	vand.u32 $0x7, v3;
	v4 =	vand.u32 $0xFFFFFFF0, v54  }
0x60: {  	v3 =	vor.u32 v3, v4  }
0x61: {  	v4 =	vperm.xlane v3, v0;
	_ =	sdelay $0x1  }
0x62: {  	v3 =	vperm.xlane v3, v2;
	v4 =	vadd.s32 v1, v4;
	_ =	sdelay $0x1  }
0x63: {  	v3 =	vadd.s32 v1, v3;
	_ =	sdelay $0x2  }
0x64: {  	[tilespmem:s11], [sflag:$0x1] =	stream.indirect_vreg.gather [hbm4b:s4+s2], $0x80, v4, vm0, $0xb8;
	[tilespmem:$0x10100] =	vst v63  }
0x65: {  	_ = 	snop  }
0x66: {  	[tilespmem:s12], [sflag:$0x1] =	stream.indirect_vreg.gather [hbm4b:s4+s2], $0x80, v3, vm0, $0xb8;
	[tilespmem:$0x10100] =	vst v63  }
0x67: {  	v3 =	vld [tilespmem:$0x70];
	_ =	sdelay $0x4  }
0x68: {  	v55 =	vshll.u32 v3, $0x1  }
0x69: {  	v3 =	vand.u32 $0x7, v3;
	v4 =	vand.u32 $0xFFFFFFF0, v55  }
0x6a: {  	v3 =	vor.u32 v3, v4  }
0x6b: {  	v4 =	vperm.xlane v3, v0;
	_ =	sdelay $0x1  }
0x6c: {  	v3 =	vperm.xlane v3, v2;
	v4 =	vadd.s32 v1, v4;
	_ =	sdelay $0x1  }
0x6d: {  	v3 =	vadd.s32 v1, v3;
	_ =	sdelay $0x2  }
0x6e: {  	[tilespmem:s13], [sflag:$0x1] =	stream.indirect_vreg.gather [hbm4b:s4+s2], $0x80, v4, vm0, $0xb8;
	[tilespmem:$0x10100] =	vst v63  }
0x6f: {  	_ = 	snop  }
0x70: {  	[tilespmem:s14], [sflag:$0x1] =	stream.indirect_vreg.gather [hbm4b:s4+s2], $0x80, v3, vm0, $0xb8;
	[tilespmem:$0x10100] =	vst v63  }
0x71: {  	v3 =	vld [tilespmem:$0x80];
	_ =	sdelay $0x4  }
0x72: {  	v56 =	vshll.u32 v3, $0x1  }
0x73: {  	v3 =	vand.u32 $0x7, v3;
	v4 =	vand.u32 $0xFFFFFFF0, v56  }
0x74: {  	v3 =	vor.u32 v3, v4  }
0x75: {  	v4 =	vperm.xlane v3, v0;
	_ =	sdelay $0x1  }
0x76: {  	v3 =	vperm.xlane v3, v2;
	v4 =	vadd.s32 v1, v4;
	_ =	sdelay $0x1  }
0x77: {  	v3 =	vadd.s32 v1, v3;
	_ =	sdelay $0x2  }
0x78: {  	[tilespmem:s15], [sflag:$0x1] =	stream.indirect_vreg.gather [hbm4b:s4+s2], $0x80, v4, vm0, $0xb8;
	[tilespmem:$0x10100] =	vst v63  }
0x79: {  	_ = 	snop  }
0x7a: {  	[tilespmem:s16], [sflag:$0x1] =	stream.indirect_vreg.gather [hbm4b:s4+s2], $0x80, v3, vm0, $0xb8;
	[tilespmem:$0x10100] =	vst v63  }
0x7b: {  	v3 =	vld [tilespmem:$0x90];
	_ =	sdelay $0x4  }
0x7c: {  	v57 =	vshll.u32 v3, $0x1  }
0x7d: {  	v3 =	vand.u32 $0x7, v3;
	v4 =	vand.u32 $0xFFFFFFF0, v57  }
0x7e: {  	v3 =	vor.u32 v3, v4  }
0x7f: {  	v4 =	vperm.xlane v3, v0;
	_ =	sdelay $0x1  }
0x80: {  	v3 =	vperm.xlane v3, v2;
	v4 =	vadd.s32 v1, v4;
	_ =	sdelay $0x1  }
0x81: {  	v3 =	vadd.s32 v1, v3;
	_ =	sdelay $0x2  }
0x82: {  	[tilespmem:s17], [sflag:$0x1] =	stream.indirect_vreg.gather [hbm4b:s4+s2], $0x80, v4, vm0, $0xb8;
	[tilespmem:$0x10100] =	vst v63  }
0x83: {  	_ = 	snop  }
0x84: {  	[tilespmem:s18], [sflag:$0x1] =	stream.indirect_vreg.gather [hbm4b:s4+s2], $0x80, v3, vm0, $0xb8;
	[tilespmem:$0x10100] =	vst v63  }
0x85: {  	v3 =	vld [tilespmem:$0xA0];
	_ =	sdelay $0x4  }
0x86: {  	v58 =	vshll.u32 v3, $0x1  }
0x87: {  	v3 =	vand.u32 $0x7, v3;
	v4 =	vand.u32 $0xFFFFFFF0, v58  }
0x88: {  	v3 =	vor.u32 v3, v4  }
0x89: {  	v4 =	vperm.xlane v3, v0;
	_ =	sdelay $0x1  }
0x8a: {  	v3 =	vperm.xlane v3, v2;
	v4 =	vadd.s32 v1, v4;
	_ =	sdelay $0x1  }
0x8b: {  	v3 =	vadd.s32 v1, v3;
	_ =	sdelay $0x2  }
0x8c: {  	[tilespmem:s19], [sflag:$0x1] =	stream.indirect_vreg.gather [hbm4b:s4+s2], $0x80, v4, vm0, $0xb8;
	[tilespmem:$0x10100] =	vst v63  }
0x8d: {  	_ = 	snop  }
0x8e: {  	[tilespmem:s20], [sflag:$0x1] =	stream.indirect_vreg.gather [hbm4b:s4+s2], $0x80, v3, vm0, $0xb8;
	[tilespmem:$0x10100] =	vst v63  }
0x8f: {  	v3 =	vld [tilespmem:$0xB0];
	_ =	sdelay $0x4  }
0x90: {  	v59 =	vshll.u32 v3, $0x1  }
0x91: {  	v3 =	vand.u32 $0x7, v3;
	v4 =	vand.u32 $0xFFFFFFF0, v59  }
0x92: {  	v3 =	vor.u32 v3, v4  }
0x93: {  	v4 =	vperm.xlane v3, v0;
	_ =	sdelay $0x1  }
0x94: {  	v3 =	vperm.xlane v3, v2;
	v4 =	vadd.s32 v1, v4;
	_ =	sdelay $0x1  }
0x95: {  	v3 =	vadd.s32 v1, v3;
	_ =	sdelay $0x2  }
0x96: {  	[tilespmem:s21], [sflag:$0x1] =	stream.indirect_vreg.gather [hbm4b:s4+s2], $0x80, v4, vm0, $0xb8;
	[tilespmem:$0x10100] =	vst v63  }
0x97: {  	_ = 	snop  }
0x98: {  	[tilespmem:s22], [sflag:$0x1] =	stream.indirect_vreg.gather [hbm4b:s4+s2], $0x80, v3, vm0, $0xb8;
	[tilespmem:$0x10100] =	vst v63  }
0x99: {  	v3 =	vld [tilespmem:$0xC0];
	_ =	sdelay $0x4  }
0x9a: {  	v60 =	vshll.u32 v3, $0x1  }
0x9b: {  	v3 =	vand.u32 $0x7, v3;
	v4 =	vand.u32 $0xFFFFFFF0, v60  }
0x9c: {  	v3 =	vor.u32 v3, v4  }
0x9d: {  	v4 =	vperm.xlane v3, v0;
	_ =	sdelay $0x1  }
0x9e: {  	v3 =	vperm.xlane v3, v2;
	v4 =	vadd.s32 v1, v4;
	_ =	sdelay $0x1  }
0x9f: {  	v3 =	vadd.s32 v1, v3;
	_ =	sdelay $0x2  }
0xa0: {  	[tilespmem:s23], [sflag:$0x1] =	stream.indirect_vreg.gather [hbm4b:s4+s2], $0x80, v4, vm0, $0xb8;
	[tilespmem:$0x10100] =	vst v63  }
0xa1: {  	_ = 	snop  }
0xa2: {  	[tilespmem:s24], [sflag:$0x1] =	stream.indirect_vreg.gather [hbm4b:s4+s2], $0x80, v3, vm0, $0xb8;
	[tilespmem:$0x10100] =	vst v63  }
0xa3: {  	v3 =	vld [tilespmem:$0xD0];
	_ =	sdelay $0x4  }
0xa4: {  	v61 =	vshll.u32 v3, $0x1  }
0xa5: {  	v3 =	vand.u32 $0x7, v3;
	v4 =	vand.u32 $0xFFFFFFF0, v61  }
0xa6: {  	v3 =	vor.u32 v3, v4  }
0xa7: {  	v4 =	vperm.xlane v3, v0;
	_ =	sdelay $0x1  }
0xa8: {  	v3 =	vperm.xlane v3, v2;
	v4 =	vadd.s32 v1, v4;
	_ =	sdelay $0x1  }
0xa9: {  	v3 =	vadd.s32 v1, v3;
	_ =	sdelay $0x2  }
0xaa: {  	[tilespmem:s25], [sflag:$0x1] =	stream.indirect_vreg.gather [hbm4b:s4+s2], $0x80, v4, vm0, $0xb8;
	[tilespmem:$0x10100] =	vst v63  }
0xab: {  	_ = 	snop  }
0xac: {  	[tilespmem:s26], [sflag:$0x1] =	stream.indirect_vreg.gather [hbm4b:s4+s2], $0x80, v3, vm0, $0xb8;
	[tilespmem:$0x10100] =	vst v63  }
0xad: {  	v3 =	vld [tilespmem:$0xE0];
	_ =	sdelay $0x4  }
0xae: {  	v62 =	vshll.u32 v3, $0x1  }
0xaf: {  	v3 =	vand.u32 $0x7, v3;
	v4 =	vand.u32 $0xFFFFFFF0, v62  }
0xb0: {  	v3 =	vor.u32 v3, v4  }
0xb1: {  	v4 =	vperm.xlane v3, v0;
	_ =	sdelay $0x1  }
0xb2: {  	v3 =	vperm.xlane v3, v2;
	v4 =	vadd.s32 v1, v4;
	_ =	sdelay $0x1  }
0xb3: {  	v3 =	vadd.s32 v1, v3;
	_ =	sdelay $0x2  }
0xb4: {  	[tilespmem:s28], [sflag:$0x1] =	stream.indirect_vreg.gather [hbm4b:s4+s2], $0x80, v4, vm0, $0xb8;
	[tilespmem:$0x10100] =	vst v63  }
0xb5: {  	_ = 	snop  }
0xb6: {  	[tilespmem:s29], [sflag:$0x1] =	stream.indirect_vreg.gather [hbm4b:s4+s2], $0x80, v3, vm0, $0xb8;
	[tilespmem:$0x10100] =	vst v63  }
0xb7: {  	v3 =	vld [tilespmem:$0xF0];
	_ =	sdelay $0x4  }
0xb8: {  	v63 =	vshll.u32 v3, $0x1  }
0xb9: {  	v3 =	vand.u32 $0x7, v3;
	v4 =	vand.u32 $0xFFFFFFF0, v63  }
0xba: {  	v3 =	vor.u32 v3, v4  }
0xbb: {  	v4 =	vperm.xlane v3, v0;
	_ =	sdelay $0x1  }
0xbc: {  	v3 =	vperm.xlane v3, v2;
	v4 =	vadd.s32 v1, v4;
	_ =	sdelay $0x1  }
0xbd: {  	v3 =	vadd.s32 v1, v3;
	_ =	sdelay $0x2  }
0xbe: {  	[tilespmem:s30], [sflag:$0x1] =	stream.indirect_vreg.gather [hbm4b:s4+s2], $0x80, v4, vm0, $0xb8;
	[tilespmem:$0x10100] =	vst v63  }
0xbf: {  	_ = 	snop  }
0xc0: {  	[tilespmem:s31], [sflag:$0x1] =	stream.indirect_vreg.gather [hbm4b:s4+s2], $0x80, v3, vm0, $0xb8;
	[tilespmem:$0x10100] =	vst v63  }
0xc1: {  	_ =	swait.ge [sflag:s1], $0x8000  }
0xc2: {  	[sflag:s1] =	ssyncset.done $0x0  }
0xc3: {  	[sflag:s1] =	ssyncadd.s32 $0xFFFF8000  }
0xc4: {  	[hbm4b:s3+s2] =	stream.linear.scatter [tilespmem:s7], [sflag:$0x2], $0x8000, $0x38;
	[tilespmem:$0x10100] =	vst v63  }
0xc5: {  	_ =	swait.ge [sflag:s6], $0x8000  }
0xc6: {  	[sflag:s6] =	ssyncset.done $0x0  }
0xc7: {  	[sflag:s6] =	ssyncadd.s32 $0xFFFF8000  }
0xc8: {  	_ =	swait.ge [sflag:s1], $0x8000  }
0xc9: {  	p0 =	sne.s32 s5, $0x1;
	[sflag:s1] =	ssyncset.done $0x0  }
.Ltmp0:
0xca: {  	s8 =	rddreg [dreg:$0x5];
	[sflag:s1] =	ssyncadd.s32 $0xFFFF8000;
	(pc) =	sbr.rel @p0 .LBB2_1-.Ltmp0, $4  }
0xcb: {  	[hbm4b:s8+s2] =	stream.linear.scatter [tilespmem:s15], [sflag:$0x2], $0x8000, $0x38;
	[tilespmem:$0x10100] =	vst v63  }
0xcc: {  	_ =	swait.ge [sflag:s6], $0x8000  }
0xcd: {  	[sflag:s6] =	ssyncset.done $0x0  }
0xce: {  	s5 =	sadd.s32 $0xFFFFFFFF, s5;
	[sflag:s6] =	ssyncadd.s32 $0xFFFF8000  }
0xcf: {  	_ =	sfence.sel $0x180000  }
0xd0: {  	[bflag:$0x0] =	sbarrier.arrive $0xFFFF  }
0xd1: {  	_ =	strace $0x90000047  }
0xd2: {  	s0 =	stileid.u32;
	[bflag:$0x2] =	sbarrier.arrive $0xFFFF  }
0xd3: {  	p0 =	sne.s32 s0, $0x0;
	s0 =	rddreg [dreg:$0x3]  }
0xd4: {  	s0 =	sadd.s32 @!p0 $0x100000, s0  }
0xd5: {  	[sflag:s0] =	ssyncadd.tile.s32 @!p0 $0x1;
	_ =	shalt  }
.Lfunc_end2:
_tile_overlayer_lowered:
.L_overlay_start_2:
0xd6: {  	(tag) =	ssettag $0x2  }
0xd7: {  	s0 =	rddreg [dreg:$0x0];
	s2 =	stileid.u32  }
0xd8: {  	s1 =	rddreg [dreg:$0x1];
	p0 =	sne.s32 s2, $0x0  }
0xd9: {  	s3 =	rddreg [dreg:$0x2];
	[bflag:$0x3] =	sbarrier.arrive $0xFFFF;
	s2 =	simm.s32 @!p0 $0x1C02  }
0xda: {  	[timem:s3], [sflag:s2] =	dma.local @!p0 [hbm:s0], s1  }
0xdb: {  	s0 =	simm.s32 @!p0 $0x2  }
0xdc: {  	_ =	swait.ge @!p0 [sflag:s0], s1  }
0xdd: {  	s1 =	ssub.s32 @!p0 $0x0, s1;
	[sflag:s0] =	ssyncset.done @!p0 $0x0  }
0xde: {  	[sflag:s0] =	ssyncadd.s32 @!p0 s1  }
0xdf: {  	[bflag:$0x3] =	sbarrier.arrive $0xFFFF  }
0xe0: {  	_ =	shalt  }

</sc_bundles>
